<compile_context>
chip_gen: v7x
topology: tpu7x:2x2x1
jax: 0.10.2.dev20260603
libtpu: 0.0.44.dev20260713+nightly
codegen_flags: <defaults>
</compile_context>

<pallas_src>
import functools

import jax
import jax.numpy as jnp
from jax import lax
from jax.experimental import pallas as pl
from jax.experimental.pallas import tpu as pltpu
from jax.experimental.pallas import tpu_sc as plsc

N_NODES = 10000
N_EDGES = 320000
D_FEAT = 128
K_HEADS = 3

NC = 2
NS = 16
L = 16
NW = NC * NS
EPW = N_EDGES // NW
CH = 2000
NCH = EPW // CH
GROUPS = CH // L


def _scores_kernel(wt_ref, x_ref, s_ref):
    s_ref[...] = lax.dot_general(
        wt_ref[...], x_ref[...], (((1,), (1,)), ((), ())),
        preferred_element_type=jnp.float32,
        precision=lax.Precision.HIGHEST,
    )


def _edge_kernel(s_hbm, src_hbm, tgt_hbm, heads_hbm, s_v, src_v, tgt_v, h_v):
    wid = lax.axis_index("s") * NC + lax.axis_index("c")
    base = wid * EPW
    pltpu.sync_copy(s_hbm, s_v)
    lane = lax.broadcasted_iota(jnp.int32, (L,), 0)

    def chunk_body(ci, carry):
        cbase = base + ci * CH
        pltpu.sync_copy(src_hbm.at[pl.ds(cbase, CH)], src_v)
        pltpu.sync_copy(tgt_hbm.at[pl.ds(cbase, CH)], tgt_v)

        def group_body(g, gcarry):
            gb = g * L
            s16 = src_v[pl.ds(gb, L)]
            t16 = tgt_v[pl.ds(gb, L)]
            oidx = lane * 4 + gb * 4
            for k in range(K_HEADS):
                a = plsc.load_gather(s_v, [s16 + (k * N_NODES)])
                b = plsc.load_gather(s_v, [t16 + ((3 + k) * N_NODES)])
                plsc.store_scatter(h_v, [oidx + k], jnp.maximum(a + b, 0.0))
            return gcarry

        lax.fori_loop(0, GROUPS, group_body, 0)
        pltpu.sync_copy(h_v, heads_hbm.at[pl.ds(cbase * 4, CH * 4)])
        return carry

    lax.fori_loop(0, NCH, chunk_body, 0)


def _concat_kernel(h_ref, x1_ref, o_ref):
    o_ref[...] = jnp.concatenate([h_ref[:, :K_HEADS], x1_ref[...]], axis=1)


@jax.jit
def kernel(x_0, x_1, neighborhood_0_to_0, att):
    src = neighborhood_0_to_0[0].astype(jnp.int32)
    tgt = neighborhood_0_to_0[1].astype(jnp.int32)
    wt = jnp.concatenate([att[:, :D_FEAT, 0], att[:, D_FEAT:, 0]], axis=0)
    wt8 = jnp.pad(wt, ((0, 2), (0, 0)))

    s8 = pl.pallas_call(
        _scores_kernel,
        out_shape=jax.ShapeDtypeStruct((8, N_NODES), jnp.float32),
    )(wt8, x_0)

    heads_flat = pl.kernel(
        _edge_kernel,
        out_type=jax.ShapeDtypeStruct((N_EDGES * 4,), jnp.float32),
        mesh=plsc.VectorSubcoreMesh(
            core_axis_name="c", subcore_axis_name="s",
            num_cores=NC, num_subcores=NS,
        ),
        scratch_types=[
            pltpu.VMEM((8 * N_NODES,), jnp.float32),
            pltpu.VMEM((CH,), jnp.int32),
            pltpu.VMEM((CH,), jnp.int32),
            pltpu.VMEM((CH * 4,), jnp.float32),
        ],
        compiler_params=pltpu.CompilerParams(needs_layout_passes=False),
    )(s8.reshape(8 * N_NODES), src, tgt)

    BE = 3200
    out = pl.pallas_call(
        _concat_kernel,
        grid=(N_EDGES // BE,),
        in_specs=[
            pl.BlockSpec((BE, 4), lambda i: (i, 0)),
            pl.BlockSpec((BE, 16), lambda i: (i, 0)),
        ],
        out_specs=pl.BlockSpec((BE, K_HEADS + 16), lambda i: (i, 0)),
        out_shape=jax.ShapeDtypeStruct((N_EDGES, K_HEADS + 16), jnp.float32),
    )(heads_flat.reshape(N_EDGES, 4), x_1)
    return out

# --- scband reference (transcript-rebuilt; emitter-appended) ---
"""Pipeline reference for scband-multi-head-lift-layer-31009663877641 (READ-ONLY COPY).

The authoritative reference and input builder live on the scoring server;
editing this copy changes nothing except your own understanding.
"""

import jax, jax.numpy as jnp
import numpy as np

N_NODES = 10000
N_EDGES = 320000
D_FEAT = 128
K_HEADS = 3
D_EDGE = 16


def setup_inputs(seed: int = 0) -> dict:
    key = jax.random.key(seed)
    k1, k2, k3, k4 = jax.random.split(key, 4)
    x_0 = jax.random.normal(k1, (N_NODES, D_FEAT), dtype=jnp.float32)
    x_1 = jax.random.normal(k2, (N_EDGES, D_EDGE), dtype=jnp.float32)
    neighborhood_0_to_0 = jax.random.randint(k3, (2, N_EDGES), 0, N_NODES, dtype=jnp.int64)
    # per-head attention params: K matrices of shape (2*in_channels_0, 1), xavier-uniform-like
    gain = float(np.sqrt(2.0))  # relu gain
    fan_in, fan_out = 2 * D_FEAT, 1
    bound = gain * np.sqrt(6.0 / (fan_in + fan_out))
    att = jax.random.uniform(k4, (K_HEADS, 2 * D_FEAT, 1), dtype=jnp.float32, minval=-bound, maxval=bound)
    return {"x_0": x_0, "x_1": x_1, "neighborhood_0_to_0": neighborhood_0_to_0, "att": att}


def reference(x_0, x_1, neighborhood_0_to_0, att):
    source = neighborhood_0_to_0[0]
    target = neighborhood_0_to_0[1]
    # gather node features for every edge endpoint
    node_features_stacked = jnp.concatenate([x_0[source], x_0[target]], axis=1)  # (E, 2*d)
    heads = []
    for k in range(K_HEADS):
        edge_signal = jax.nn.relu(node_features_stacked @ att[k])  # (E, 1)
        heads.append(edge_signal)
    combined_x_1 = jnp.concatenate(heads, axis=1)  # (E, K) readout='cat'
    # dropout p=0.0 -> identity
    combined_x_1 = jnp.concatenate([combined_x_1, x_1], axis=1)  # (E, K + d_edge)
    return combined_x_1

if __name__ == "__main__":
    import jax
    _d = setup_inputs()
    print(jax.jit(kernel)(*tuple(_d.values())))

</pallas_src>

<mosaic_0001>
#map = affine_map<(d0, d1) -> (0)>
module attributes {stable_mosaic.version = 14 : i64} {
  func.func @_edge_kernel(%arg0: i32, %arg1: i32, %arg2: memref<80000xf32, #tpu.memory_space<hbm>>, %arg3: memref<320000xi32, #tpu.memory_space<hbm>>, %arg4: memref<320000xi32, #tpu.memory_space<hbm>>, %arg5: memref<1280000xf32, #tpu.memory_space<hbm>>, %arg6: memref<80000xf32, #tpu.memory_space<vmem>>, %arg7: memref<2000xi32, #tpu.memory_space<vmem>>, %arg8: memref<2000xi32, #tpu.memory_space<vmem>>, %arg9: memref<8000xf32, #tpu.memory_space<vmem>>) attributes {dimension_semantics = [#tpu.dimension_semantics<core_parallel>, #tpu.dimension_semantics<subcore_parallel>], iteration_bounds = array<i64: 2, 16>, scalar_prefetch = 0 : i64, scratch_operands = 4 : i64, tpu.core_type = #tpu.core_type<sc_vector_subcore>, window_params = [{transform_indices = #map}, {transform_indices = #map}, {transform_indices = #map}, {transform_indices = #map}]} {
    %mul3A = arith.constant 2 : i32
    %mul3A_0 = arith.muli %arg1, %mul3A : i32
    %add3A = arith.addi %mul3A_0, %arg0 : i32
    %mul3A_1 = arith.constant 10000 : i32
    %mul3A_2 = arith.muli %add3A, %mul3A_1 : i32
    "tpu.region"() ({
      %run_scoped3A = tpu.sem_alloc : memref<!tpu.dma_semaphore, #tpu.memory_space<semaphore_mem>>
      tpu.enqueue_dma source(%arg2 : memref<80000xf32, #tpu.memory_space<hbm>>) target(%arg6 : memref<80000xf32, #tpu.memory_space<vmem>>) target_semaphore(%run_scoped3A : memref<!tpu.dma_semaphore, #tpu.memory_space<semaphore_mem>>)
      tpu.wait_dma2 semaphore(%run_scoped3A : memref<!tpu.dma_semaphore, #tpu.memory_space<semaphore_mem>>) src(%arg2 : memref<80000xf32, #tpu.memory_space<hbm>>) dst(%arg6 : memref<80000xf32, #tpu.memory_space<vmem>>)
      tpu.yield
    }) : () -> ()
    %iota3A = tpu.iota {dimensions = array<i32: 0>} : vector<16xi32>
    %scan3A = arith.constant 0 : i32
    %scan3A_3 = arith.constant 0 : i32
    %scan3A_4 = arith.constant 5 : i32
    %scan3A_5 = arith.addi %scan3A_3, %scan3A_4 : i32
    %scan3A_6 = arith.constant 1 : i32
    scf.for %scan3A_8 = %scan3A_3 to %scan3A_5 step %scan3A_6  : i32 {
      %mul3A_9 = arith.constant 2000 : i32
      %mul3A_10 = arith.muli %scan3A_8, %mul3A_9 : i32
      %add3A_11 = arith.addi %mul3A_2, %mul3A_10 : i32
      "tpu.region"() ({
        %run_scoped3A = tpu.sem_alloc : memref<!tpu.dma_semaphore, #tpu.memory_space<semaphore_mem>>
        %dma_start3A = tpu.memref_slice %arg3[%add3A_11] : memref<320000xi32, #tpu.memory_space<hbm>> -> memref<2000xi32, #tpu.memory_space<hbm>>
        %dma_start3A_20 = tpu.memref_slice %arg3[%add3A_11] : memref<320000xi32, #tpu.memory_space<hbm>> -> memref<2000xi32, #tpu.memory_space<hbm>>
        tpu.enqueue_dma source(%dma_start3A_20 : memref<2000xi32, #tpu.memory_space<hbm>>) target(%arg7 : memref<2000xi32, #tpu.memory_space<vmem>>) target_semaphore(%run_scoped3A : memref<!tpu.dma_semaphore, #tpu.memory_space<semaphore_mem>>)
        %dma_wait3A = tpu.memref_slice %arg3[%add3A_11] : memref<320000xi32, #tpu.memory_space<hbm>> -> memref<2000xi32, #tpu.memory_space<hbm>>
        %dma_wait3A_21 = tpu.memref_slice %arg3[%add3A_11] : memref<320000xi32, #tpu.memory_space<hbm>> -> memref<2000xi32, #tpu.memory_space<hbm>>
        tpu.wait_dma2 semaphore(%run_scoped3A : memref<!tpu.dma_semaphore, #tpu.memory_space<semaphore_mem>>) src(%dma_wait3A_21 : memref<2000xi32, #tpu.memory_space<hbm>>) dst(%arg7 : memref<2000xi32, #tpu.memory_space<vmem>>)
        tpu.yield
      }) : () -> ()
      "tpu.region"() ({
        %run_scoped3A = tpu.sem_alloc : memref<!tpu.dma_semaphore, #tpu.memory_space<semaphore_mem>>
        %dma_start3A = tpu.memref_slice %arg4[%add3A_11] : memref<320000xi32, #tpu.memory_space<hbm>> -> memref<2000xi32, #tpu.memory_space<hbm>>
        %dma_start3A_20 = tpu.memref_slice %arg4[%add3A_11] : memref<320000xi32, #tpu.memory_space<hbm>> -> memref<2000xi32, #tpu.memory_space<hbm>>
        tpu.enqueue_dma source(%dma_start3A_20 : memref<2000xi32, #tpu.memory_space<hbm>>) target(%arg8 : memref<2000xi32, #tpu.memory_space<vmem>>) target_semaphore(%run_scoped3A : memref<!tpu.dma_semaphore, #tpu.memory_space<semaphore_mem>>)
        %dma_wait3A = tpu.memref_slice %arg4[%add3A_11] : memref<320000xi32, #tpu.memory_space<hbm>> -> memref<2000xi32, #tpu.memory_space<hbm>>
        %dma_wait3A_21 = tpu.memref_slice %arg4[%add3A_11] : memref<320000xi32, #tpu.memory_space<hbm>> -> memref<2000xi32, #tpu.memory_space<hbm>>
        tpu.wait_dma2 semaphore(%run_scoped3A : memref<!tpu.dma_semaphore, #tpu.memory_space<semaphore_mem>>) src(%dma_wait3A_21 : memref<2000xi32, #tpu.memory_space<hbm>>) dst(%arg8 : memref<2000xi32, #tpu.memory_space<vmem>>)
        tpu.yield
      }) : () -> ()
      %scan3A_12 = arith.constant 0 : i32
      %scan3A_13 = arith.constant 0 : i32
      %scan3A_14 = arith.constant 125 : i32
      %scan3A_15 = arith.addi %scan3A_13, %scan3A_14 : i32
      %scan3A_16 = arith.constant 1 : i32
      scf.for %scan3A_20 = %scan3A_13 to %scan3A_15 step %scan3A_16  : i32 {
        %mul3A_21 = arith.constant 16 : i32
        %mul3A_22 = arith.muli %scan3A_20, %mul3A_21 : i32
        %get3A = arith.index_cast %mul3A_22 : i32 to index
        %get3A_23 = tpu.vector_load %arg7[%get3A] {strides = array<i32>} : memref<2000xi32, #tpu.memory_space<vmem>>, vector<16xi32>,
        %get3A_24 = arith.index_cast %mul3A_22 : i32 to index
        %get3A_25 = tpu.vector_load %arg8[%get3A_24] {strides = array<i32>} : memref<2000xi32, #tpu.memory_space<vmem>>, vector<16xi32>,
        %mul3A_26 = arith.constant 4 : i32
        %mul3A_27 = vector.broadcast %mul3A_26 : i32 to vector<16xi32>
        %mul3A_28 = arith.muli %iota3A, %mul3A_27 : vector<16xi32>
        %mul3A_29 = arith.constant 4 : i32
        %mul3A_30 = arith.muli %mul3A_22, %mul3A_29 : i32
        %add3A_31 = vector.broadcast %mul3A_30 : i32 to vector<16xi32>
        %add3A_32 = arith.addi %mul3A_28, %add3A_31 : vector<16xi32>
        %add3A_33 = arith.constant 0 : i32
        %add3A_34 = vector.broadcast %add3A_33 : i32 to vector<16xi32>
        %add3A_35 = arith.addi %get3A_23, %add3A_34 : vector<16xi32>
        %gather3A = tpu.vector_load_idx %arg6[%add3A_35] : memref<80000xf32, #tpu.memory_space<vmem>>[vector<16xi32>], vector<16xf32>,
        %add3A_36 = arith.constant 30000 : i32
        %add3A_37 = vector.broadcast %add3A_36 : i32 to vector<16xi32>
        %add3A_38 = arith.addi %get3A_25, %add3A_37 : vector<16xi32>
        %gather3A_39 = tpu.vector_load_idx %arg6[%add3A_38] : memref<80000xf32, #tpu.memory_space<vmem>>[vector<16xi32>], vector<16xf32>,
        %add3A_40 = arith.constant 0 : i32
        %add3A_41 = vector.broadcast %add3A_40 : i32 to vector<16xi32>
        %add3A_42 = arith.addi %add3A_32, %add3A_41 : vector<16xi32>
        %add3A_43 = arith.addf %gather3A, %gather3A_39 : vector<16xf32>
        %max3A = arith.constant 0.000000e+00 : f32
        %max3A_44 = vector.broadcast %max3A : f32 to vector<16xf32>
        %max3A_45 = arith.maximumf %add3A_43, %max3A_44 : vector<16xf32>
        tpu.vector_store_idx %arg9[%add3A_42], %max3A_45 : memref<8000xf32, #tpu.memory_space<vmem>>[vector<16xi32>], vector<16xf32>,
        %add3A_46 = arith.constant 10000 : i32
        %add3A_47 = vector.broadcast %add3A_46 : i32 to vector<16xi32>
        %add3A_48 = arith.addi %get3A_23, %add3A_47 : vector<16xi32>
        %gather3A_49 = tpu.vector_load_idx %arg6[%add3A_48] : memref<80000xf32, #tpu.memory_space<vmem>>[vector<16xi32>], vector<16xf32>,
        %add3A_50 = arith.constant 40000 : i32
        %add3A_51 = vector.broadcast %add3A_50 : i32 to vector<16xi32>
        %add3A_52 = arith.addi %get3A_25, %add3A_51 : vector<16xi32>
        %gather3A_53 = tpu.vector_load_idx %arg6[%add3A_52] : memref<80000xf32, #tpu.memory_space<vmem>>[vector<16xi32>], vector<16xf32>,
        %add3A_54 = arith.constant 1 : i32
        %add3A_55 = vector.broadcast %add3A_54 : i32 to vector<16xi32>
        %add3A_56 = arith.addi %add3A_32, %add3A_55 : vector<16xi32>
        %add3A_57 = arith.addf %gather3A_49, %gather3A_53 : vector<16xf32>
        %max3A_58 = arith.constant 0.000000e+00 : f32
        %max3A_59 = vector.broadcast %max3A_58 : f32 to vector<16xf32>
        %max3A_60 = arith.maximumf %add3A_57, %max3A_59 : vector<16xf32>
        tpu.vector_store_idx %arg9[%add3A_56], %max3A_60 : memref<8000xf32, #tpu.memory_space<vmem>>[vector<16xi32>], vector<16xf32>,
        %add3A_61 = arith.constant 20000 : i32
        %add3A_62 = vector.broadcast %add3A_61 : i32 to vector<16xi32>
        %add3A_63 = arith.addi %get3A_23, %add3A_62 : vector<16xi32>
        %gather3A_64 = tpu.vector_load_idx %arg6[%add3A_63] : memref<80000xf32, #tpu.memory_space<vmem>>[vector<16xi32>], vector<16xf32>,
        %add3A_65 = arith.constant 50000 : i32
        %add3A_66 = vector.broadcast %add3A_65 : i32 to vector<16xi32>
        %add3A_67 = arith.addi %get3A_25, %add3A_66 : vector<16xi32>
        %gather3A_68 = tpu.vector_load_idx %arg6[%add3A_67] : memref<80000xf32, #tpu.memory_space<vmem>>[vector<16xi32>], vector<16xf32>,
        %add3A_69 = arith.constant 2 : i32
        %add3A_70 = vector.broadcast %add3A_69 : i32 to vector<16xi32>
        %add3A_71 = arith.addi %add3A_32, %add3A_70 : vector<16xi32>
        %add3A_72 = arith.addf %gather3A_64, %gather3A_68 : vector<16xf32>
        %max3A_73 = arith.constant 0.000000e+00 : f32
        %max3A_74 = vector.broadcast %max3A_73 : f32 to vector<16xf32>
        %max3A_75 = arith.maximumf %add3A_72, %max3A_74 : vector<16xf32>
        tpu.vector_store_idx %arg9[%add3A_71], %max3A_75 : memref<8000xf32, #tpu.memory_space<vmem>>[vector<16xi32>], vector<16xf32>,
      }
      %scan3A_17 = arith.constant 125 : i32
      %mul3A_18 = arith.constant 4 : i32
      %mul3A_19 = arith.muli %add3A_11, %mul3A_18 : i32
      "tpu.region"() ({
        %run_scoped3A = tpu.sem_alloc : memref<!tpu.dma_semaphore, #tpu.memory_space<semaphore_mem>>
        %dma_start3A = tpu.memref_slice %arg5[%mul3A_19] : memref<1280000xf32, #tpu.memory_space<hbm>> -> memref<8000xf32, #tpu.memory_space<hbm>>
        %dma_start3A_20 = tpu.memref_slice %arg5[%mul3A_19] : memref<1280000xf32, #tpu.memory_space<hbm>> -> memref<8000xf32, #tpu.memory_space<hbm>>
        tpu.enqueue_dma source(%arg9 : memref<8000xf32, #tpu.memory_space<vmem>>) target(%dma_start3A_20 : memref<8000xf32, #tpu.memory_space<hbm>>) target_semaphore(%run_scoped3A : memref<!tpu.dma_semaphore, #tpu.memory_space<semaphore_mem>>)
        %dma_wait3A = tpu.memref_slice %arg5[%mul3A_19] : memref<1280000xf32, #tpu.memory_space<hbm>> -> memref<8000xf32, #tpu.memory_space<hbm>>
        %dma_wait3A_21 = tpu.memref_slice %arg5[%mul3A_19] : memref<1280000xf32, #tpu.memory_space<hbm>> -> memref<8000xf32, #tpu.memory_space<hbm>>
        tpu.wait_dma2 semaphore(%run_scoped3A : memref<!tpu.dma_semaphore, #tpu.memory_space<semaphore_mem>>) src(%arg9 : memref<8000xf32, #tpu.memory_space<vmem>>) dst(%dma_wait3A_21 : memref<8000xf32, #tpu.memory_space<hbm>>)
        tpu.yield
      }) : () -> ()
    }
    %scan3A_7 = arith.constant 5 : i32
    return
  }
}

module attributes {stable_mosaic.version = 14 : i64} {
  func.func @_scores_kernel(%arg0: memref<8x128xf32, #tpu.memory_space<vmem>>, %arg1: memref<10000x128xf32, #tpu.memory_space<vmem>>, %arg2: memref<8x10000xf32, #tpu.memory_space<vmem>>) attributes {dimension_semantics = [], scalar_prefetch = 0 : i64, scratch_operands = 0 : i64, tpu.core_type = #tpu.core_type<tc>} {
    %get3A = arith.constant 0 : index
    %get3A_0 = arith.constant 0 : index
    %get3A_1 = vector.load %arg0[%get3A, %get3A_0] : memref<8x128xf32, #tpu.memory_space<vmem>>, vector<8x128xf32>
    %get3A_2 = arith.constant 0 : index
    %get3A_3 = arith.constant 0 : index
    %get3A_4 = vector.load %arg1[%get3A_2, %get3A_3] : memref<10000x128xf32, #tpu.memory_space<vmem>>, vector<10000x128xf32>
    %dot_general3A = arith.constant dense<0.000000e+00> : vector<8x10000xf32>
    %dot_general3A_5 = tpu.matmul %get3A_1, %get3A_4, %dot_general3A {dimension_numbers = #tpu.dot_dimension_numbers<[1], [1], [0], [0], [0, 0, 1, 0], [], []>, precision = #tpu.contract_precision<fp32>, transpose_lhs_hint = false} : vector<8x128xf32>, vector<10000x128xf32>, vector<8x10000xf32> -> vector<8x10000xf32>
    %swap3A = arith.constant 0 : index
    %swap3A_6 = arith.constant 0 : index
    %swap3A_7 = vector.load %arg2[%swap3A, %swap3A_6] : memref<8x10000xf32, #tpu.memory_space<vmem>>, vector<8x10000xf32>
    tpu.vector_store %arg2[%swap3A, %swap3A_6], %dot_general3A_5 {strides = array<i32>} : memref<8x10000xf32, #tpu.memory_space<vmem>>, vector<8x10000xf32>,
    return
  }
}

module attributes {stable_mosaic.version = 14 : i64} {
  func.func @_concat_kernel(%arg0: i32, %arg1: memref<3200x4xf32, #tpu.memory_space<vmem>>, %arg2: memref<3200x16xf32, #tpu.memory_space<vmem>>, %arg3: memref<3200x19xf32, #tpu.memory_space<vmem>>) attributes {dimension_semantics = [#tpu.dimension_semantics<arbitrary>], iteration_bounds = array<i64: 100>, scalar_prefetch = 0 : i64, scratch_operands = 0 : i64, tpu.core_type = #tpu.core_type<tc>, window_params = [{transform_indices = @transform_0, window_bounds = array<i64: 3200, 4>}, {transform_indices = @transform_1, window_bounds = array<i64: 3200, 16>}, {transform_indices = @transform_2, window_bounds = array<i64: 3200, 19>}]} {
    %get3A = arith.constant 0 : index
    %get3A_0 = arith.constant 0 : index
    %get3A_1 = vector.load %arg1[%get3A, %get3A_0] : memref<3200x4xf32, #tpu.memory_space<vmem>>, vector<3200x3xf32>
    %get3A_2 = arith.constant 0 : index
    %get3A_3 = arith.constant 0 : index
    %get3A_4 = vector.load %arg2[%get3A_2, %get3A_3] : memref<3200x16xf32, #tpu.memory_space<vmem>>, vector<3200x16xf32>
    %concatenate3A = tpu.concatenate %get3A_1, %get3A_4 in 1 : vector<3200x3xf32>, vector<3200x16xf32> -> vector<3200x19xf32>
    %swap3A = arith.constant 0 : index
    %swap3A_5 = arith.constant 0 : index
    %swap3A_6 = vector.load %arg3[%swap3A, %swap3A_5] : memref<3200x19xf32, #tpu.memory_space<vmem>>, vector<3200x19xf32>
    tpu.vector_store %arg3[%swap3A, %swap3A_5], %concatenate3A {strides = array<i32>} : memref<3200x19xf32, #tpu.memory_space<vmem>>, vector<3200x19xf32>,
    return
  }
  func.func @transform_0(%arg0: i32) -> (i32, i32) {
    %c0_i32 = arith.constant 0 : i32
    %c0_i32_0 = arith.constant 0 : i32
    return %arg0, %c0_i32 : i32, i32
  }
  func.func @transform_1(%arg0: i32) -> (i32, i32) {
    %c0_i32 = arith.constant 0 : i32
    %c0_i32_0 = arith.constant 0 : i32
    return %arg0, %c0_i32 : i32, i32
  }
  func.func @transform_2(%arg0: i32) -> (i32, i32) {
    %c0_i32 = arith.constant 0 : i32
    %c0_i32_0 = arith.constant 0 : i32
    return %arg0, %c0_i32 : i32, i32
  }
}

</mosaic_0001>

<sc_bundles>
// kernel: kernel.5.cloned.1.call-start
scs
__scs_entry_jumppad:
0x0: {  	(pc) =	sbr.rel $0x88, $3  }
0x1: {  	(tag) =	ssettag $0x0;
	lr =	simm.s32 $0x1  }
0x2: {  	[smem:$0x3F9D] =	sst lr;
	_ =	strace $0xD0000000  }
0x3: {  	_ = 	snop  }
0x4: {  	_ = 	snop  }
0x5: {  	_ = 	snop  }
0x6: {  	_ = 	snop  }
0x7: {  	_ = 	snop  }
__scs_overlays_trampoline_lowered:
0x8: {  	[smem:$0x3FAC] =	sst s0  }
0x9: {  	[smem:$0x3FAD] =	sst s1  }
0xa: {  	[smem:$0x3FAE] =	sst s2  }
0xb: {  	[smem:$0x3FAF] =	sst s3  }
0xc: {  	[smem:$0x3FB0] =	sst s4  }
0xd: {  	[smem:$0x3FB1] =	sst s5  }
0xe: {  	[smem:$0x3FB2] =	sst s6  }
0xf: {  	[smem:$0x3FB3] =	sst s7  }
0x10: {  	[smem:$0x3FB4] =	sst s8  }
0x11: {  	[smem:$0x3FB5] =	sst s9;
	s0 =	simm.s32 @!p0 $0x0  }
0x12: {  	s1 =	sld [smem:$0x3F9B];
	s0 =	simm.s32 @p0 $0x1  }
0x13: {  	[smem:$0x3FB6] =	sst s0;
	s0 =	simm.s32 @!p1 $0x0  }
0x14: {  	s2 =	sld [smem:$0x3F9A];
	s0 =	simm.s32 @p1 $0x1  }
0x15: {  	[smem:$0x3FB7] =	sst s0;
	s0 =	simm.s32 @!p2 $0x0  }
0x16: {  	s3 =	sld [smem:$0x3FDB];
	s0 =	simm.s32 @p2 $0x1  }
0x17: {  	s4 =	simm.s32 $0x1BF5;
	[smem:$0x3FB9] =	sst s0  }
0x18: {  	s0 =	sld [smem:$0x3F9C];
	_ =	swait.ge [sflag:s4], $0x0  }
0x19: {  	s7 =	sld [smem:$0x3F9D]  }
0x1a: {  	s8 =	sadd.s32 $0xFFFFE003, lr  }
0x1b: {  	s9 =	sadd.s32 $0xFFFFFEF7, lr;
	s5 =	simm.s32 $0xFFFFFFFF;
	p2 =	slt.u32 s8, $0xFFFFF086  }
0x1c: {  	p1 =	slt.u32 s9, $0xF7A;
	s5 =	simm.s32 @!p2 $0x0  }
0x1d: {  	s5 =	simm.s32 @p1 $0x1;
	p0 =	seq.s32 s7, s2  }
0x1e: {  	s7 =	smul.u32 @!p0 $0xF7A, s2;
	p2 =	seq.s32 @!p0 s5, $0x0  }
0x1f: {  	s9 =	smul.u32 $0xF7A, s1;
	s8 =	simm.s32 @!p0 $0x1BF5;
	p2 =	por !p2, p0  }
0x20: {  	[sflag:s8] =	ssyncset.s32 @!p0 $0xFFFFF086;
	s6 =	sadd.s32 @!p0 s3, s7;
	s7 =	simm.s32 @!p0 $0x108  }
0x21: {  	s3 =	sadd.s32 s3, s9;
	s6 =	sadd.s32 @!p0 $0x88, s6;
	s7 =	simm.s32 @p2 $0x1082  }
0x22: {  	[simem:s7], [sflag:s8] =	dma.local @!p0 [hbm:s6], $0xF7A  }
0x23: {  	s9 =	sor.u32 $0xD0000000, s2;
	s6 =	simm.s32 $0x108;
	_ =	swait.ge @!p0 [sflag:s8], $0x0  }
0x24: {  	s3 =	sadd.s32 $0x88, s3;
	s6 =	simm.s32 @!p1 $0x1082;
	[sflag:s4] =	ssyncset.s32 $0xFFFFF086  }
0x25: {  	[simem:s6], [sflag:s4] =	dma.local [hbm:s3], $0xF7A  }
0x26: {  	[smem:$0x3F9D] =	sst s1;
	(tag) =	ssettag s2;
	_ =	strace s9  }
0x27: {  	s1 =	sld [smem:$0x3FAD]  }
0x28: {  	s2 =	sld [smem:$0x3FAE]  }
0x29: {  	s4 =	sld [smem:$0x3FB0]  }
0x2a: {  	p0 =	seq.s32 s5, $0x0;
	s5 =	sld [smem:$0x3FB1]  }
0x2b: {  	s6 =	sld [smem:$0x3FB2]  }
0x2c: {  	s7 =	sld [smem:$0x3FB3]  }
0x2d: {  	s3 =	simm.s32 $0x108;
	s8 =	sld [smem:$0x3FB4]  }
0x2e: {  	s3 =	simm.s32 @!p0 $0x1082;
	s9 =	sld [smem:$0x3FB5]  }
0x2f: {  	lr =	sadd.s32 s0, s3;
	s0 =	sld [smem:$0x3FAC]  }
0x30: {  	s3 =	sld [smem:$0x3FAF]  }
0x31: {  	[smem:$0x3FB8] =	sst s10  }
0x32: {  	s10 =	sld [smem:$0x3FB6];
	_ =	sdelay $0x3  }
0x33: {  	p0 =	seq.s32 s10, $0x1;
	s10 =	sld [smem:$0x3FB8];
	_ =	sdelay $0x3  }
0x34: {  	[smem:$0x3FB8] =	sst s10  }
0x35: {  	s10 =	sld [smem:$0x3FB7];
	_ =	sdelay $0x3  }
0x36: {  	p1 =	seq.s32 s10, $0x1;
	s10 =	sld [smem:$0x3FB8];
	_ =	sdelay $0x3  }
0x37: {  	[smem:$0x3FB8] =	sst s10  }
0x38: {  	s10 =	sld [smem:$0x3FB9]  }
0x39: {  	_ = 	snop;
	(pc) =	sbr.ind lr, $3  }
0x3a: {  	_ = 	snop  }
0x3b: {  	_ = 	snop  }
0x3c: {  	p2 =	seq.s32 s10, $0x1;
	s10 =	sld [smem:$0x3FB8]  }
0x3d: {  	_ =	shalt  }
0x3e: {  	_ =	shalt  }
0x3f: {  	_ =	shalt  }
0x40: {  	_ =	shalt  }
0x41: {  	_ =	shalt  }
0x42: {  	_ =	shalt  }
0x43: {  	_ =	shalt  }
0x44: {  	_ =	shalt  }
0x45: {  	_ =	shalt  }
0x46: {  	_ =	shalt  }
0x47: {  	_ =	shalt  }
0x48: {  	_ =	shalt  }
0x49: {  	_ =	shalt  }
0x4a: {  	_ =	shalt  }
0x4b: {  	_ =	shalt  }
0x4c: {  	_ =	shalt  }
0x4d: {  	_ =	shalt  }
0x4e: {  	_ =	shalt  }
0x4f: {  	_ =	shalt  }
0x50: {  	_ =	shalt  }
0x51: {  	_ =	shalt  }
0x52: {  	_ =	shalt  }
0x53: {  	_ =	shalt  }
0x54: {  	_ =	shalt  }
0x55: {  	_ =	shalt  }
0x56: {  	_ =	shalt  }
0x57: {  	_ =	shalt  }
0x58: {  	_ =	shalt  }
0x59: {  	_ =	shalt  }
0x5a: {  	_ =	shalt  }
0x5b: {  	_ =	shalt  }
0x5c: {  	_ =	shalt  }
0x5d: {  	_ =	shalt  }
0x5e: {  	_ =	shalt  }
0x5f: {  	_ =	shalt  }
0x60: {  	_ =	shalt  }
0x61: {  	_ =	shalt  }
0x62: {  	_ =	shalt  }
0x63: {  	_ =	shalt  }
0x64: {  	_ =	shalt  }
0x65: {  	_ =	shalt  }
0x66: {  	_ =	shalt  }
0x67: {  	_ =	shalt  }
0x68: {  	_ =	shalt  }
0x69: {  	_ =	shalt  }
0x6a: {  	_ =	shalt  }
0x6b: {  	_ =	shalt  }
0x6c: {  	_ =	shalt  }
0x6d: {  	_ =	shalt  }
0x6e: {  	_ =	shalt  }
0x6f: {  	_ =	shalt  }
0x70: {  	_ =	shalt  }
0x71: {  	_ =	shalt  }
0x72: {  	_ =	shalt  }
0x73: {  	_ =	shalt  }
0x74: {  	_ =	shalt  }
0x75: {  	_ =	shalt  }
0x76: {  	_ =	shalt  }
0x77: {  	_ =	shalt  }
0x78: {  	_ =	shalt  }
0x79: {  	_ =	shalt  }
0x7a: {  	_ =	shalt  }
0x7b: {  	_ =	shalt  }
0x7c: {  	_ =	shalt  }
0x7d: {  	_ =	shalt  }
0x7e: {  	_ =	shalt  }
0x7f: {  	_ =	shalt  }
0x80: {  	_ =	shalt  }
0x81: {  	_ =	shalt  }
0x82: {  	_ =	shalt  }
0x83: {  	_ =	shalt  }
0x84: {  	_ =	shalt  }
0x85: {  	_ =	shalt  }
0x86: {  	_ =	shalt  }
0x87: {  	_ =	shalt  }
.Lfunc_end0:
.L_simem_size_0:
called_computation_lowered:
.L_overlay_start_0:
0x88: {  	s2 =	sld [smem:$0x3FD9]  }
0x89: {  	s3 =	sld [smem:$0x3FFE];
	_ =	sdelay $0x1  }
0x8a: {  	s1 =	srdreg.scid  }
0x8b: {  	s0 =	sand.u32 $0x1, s1  }
0x8c: {  	s17 =	sshll.u32 s0, $0xA;
	s2 =	sadd.s32 s3, s2  }
0x8d: {  	s2 =	sadd.s32 s2, s17  }
0x8e: {  	[smem:$0x3FC4] =	sst s2  }
0x8f: {  	_ = 	snop  }
0x90: {  	s2 =	sld [smem:$0x3FD0];
	(tm) =	ssettm $0x1  }
0x91: {  	s18 =	sld [smem:$0x3FFB];
	_ =	sdelay $0x3  }
0x92: {  	_ =	strace s18  }
0x93: {  	s3 =	sld [smem:$0x3FFC];
	_ =	sdelay $0x3  }
0x94: {  	_ =	strace s3  }
0x95: {  	s3 =	sld [smem:$0x3FFD];
	_ =	sdelay $0x3  }
0x96: {  	_ =	strace s3  }
0x97: {  	_ =	strace $0x8FFFFFFF  }
0x98: {  	s19 =	sld [smem:$0x3FDB];
	_ =	sdelay $0x1  }
0x99: {  	s4 =	simm.s32 $_scs_section_size  }
0x9a: {  	s5 =	simm.s32 $_size__tile_overlayer_lowered;
	s6 =	simm.s32 $_tile_overlayer_lowered  }
0x9b: {  	s22 =	simm.s32 $0x1BFF;
	s21 =	sshll.u32 s6, $0x1;
	s3 =	sadd.s32 s4, s19  }
0x9c: {  	s7 =	simm.s32 $0x0;
	s20 =	sshll.u32 s5, $0x1;
	s5 =	sadd.s32 s21, s3  }
0x9d: {  	[timem:s7], [sflag:s22] =	dma.local [hbm:s5], s20  }
0x9e: {  	_ =	swait.ge [sflag:s22], s20  }
0x9f: {  	s4 =	ssub.s32 $0x0, s20;
	[sflag:s22] =	ssyncset.done $0x0  }
0xa0: {  	[sflag:s22] =	ssyncadd.s32 s4;
	_ =	sdelay $0x1  }
0xa1: {  	s23 =	simm.s32 $0x1B8B  }
0xa2: {  	_ =	swait.ge [sflag:s23], $0x1  }
0xa3: {  	[sflag:s23] =	ssyncset.done $0x0  }
0xa4: {  	s25 =	simm.s32 $0x1B8E;
	s24 =	sld [smem:$0x3FFE];
	[sflag:s23] =	ssyncadd.s32 $0xFFFFFFFF  }
0xa5: {  	s26 =	simm.s32 $execute0_lowered;
	[smem:$0x3FD2] =	sst s25  }
0xa6: {  	s5 =	sshll.u32 s26, $0x1;
	_ =	strace $0x80000046;
	[dreg:$0x1] =	wrdreg $0xFFFFFFFF  }
0xa7: {  	s28 =	simm.s32 $_size_execute0_lowered;
	s3 =	sadd.s32 s3, s5;
	[dreg:$0x0] =	wrdreg $0x0  }
0xa8: {  	s5 =	sshll.u32 s28, $0x1;
	[dreg:$0x2] =	wrdreg s3  }
0xa9: {  	[dreg:$0x3] =	wrdreg s5  }
0xaa: {  	[dreg:$0x4] =	wrdreg $0xC0  }
0xab: {  	_ =	task [dreg:s7], $0x5FFFF  }
0xac: {  	[dreg:$0x1] =	wrdreg $0xFFFFFFFF  }
0xad: {  	[dreg:$0x0] =	wrdreg $0x60  }
0xae: {  	[dreg:$0x2] =	wrdreg s24  }
0xaf: {  	[dreg:$0x3] =	wrdreg s2  }
0xb0: {  	[dreg:$0x4] =	wrdreg $0x9  }
0xb1: {  	_ =	task.clear_ibuf [dreg:s7], $0x5FFFF;
	_ =	strace $0x90000046  }
0xb2: {  	s29 =	simm.s32 $0x9;
	_ =	strace $0x80000048  }
0xb3: {  	_ =	swait.ge [sflag:s29], $0x1  }
0xb4: {  	[sflag:s29] =	ssyncadd.s32 $0xFFFFFFFF  }
0xb5: {  	_ =	strace $0x90000048  }
0xb6: {  	_ =	sfence  }
0xb7: {  	s30 =	sld [smem:$0x0];
	_ =	sdelay $0x2  }
0xb8: {  	s31 =	sshll.u32 s1, $0xD;
	s1 =	sshrl.u32 s1, $0x2  }
0xb9: {  	s3 =	sand.u32 $0x4000, s31;
	s1 =	sadd.s32 s1, s30  }
0xba: {  	s0 =	sor.u32 s3, s0;
	s1 =	sshll.u32 s1, $0x11  }
0xbb: {  	s0 =	sor.u32 s1, s0  }
0xbc: {  	s0 =	sadd.s32 $0x8F2B, s0  }
0xbd: {  	[sflag:s0] =	ssyncadd.remote.s32 $0x1  }
0xbe: {  	_ =	sfence.sel $0xFFFF  }
0xbf: {  	[dreg:$0x0] =	wrdreg $0xFFFFFFFF;
	(pc) =	sbr.abs _section_cstart, $3  }
0xc0: {  	[dreg:$0x1] =	wrdreg $0xFFFFFFFF  }
0xc1: {  	_ =	task.clear_ibuf [dreg:s7], $0x2FFFF;
	_ =	strace $0x9FFFFFFF  }
0xc2: {  	(tm) =	ssettm $0x7FFFFFFF  }
0xc3: {  	_ =	shalt  }
tec
execute0_lowered:
.L_overlay_start_1:
0x0: {  	(tag) =	ssettag $0x1  }
0x1: {  	s6 =	rddreg [dreg:$0x0]  }
0x2: {  	s1 =	rddreg [dreg:$0x1]  }
0x3: {  	s0 =	rddreg [dreg:$0x2]  }
0x4: {  	s3 =	simm.s32 $0x0;
	s4 =	srdreg.scid;
	s2 =	stileid.u32  }
0x5: {  	s11 =	simm.s32 $0x14080;
	s12 =	simm.s32 $0x14880;
	s13 =	simm.s32 $0x0  }
0x6: {  	[smem:$0x7FF] =	sst s3;
	s7 =	sand.u32 $0x1, s4;
	s4 =	sadd.s32 $0x1600, s6  }
0x7: {  	v0 =	vlaneseq.u32;
	s9 =	sshll.u32 s2, $0x1;
	s5 =	sadd.s32 $0xDC00, s6;
	s8 =	ssub.s32 $0x2, s7  }
0x8: {  	s6 =	sadd.s32 $0x3E00, s6;
	v0 =	vmul.u32 $0x4, v0;
	_ =	strace $0x80000047;
	s10 =	sshrl.u32 s8, $0x1  }
0x9: {  	s7 =	sor.u32 s7, s9;
	s9 =	simm.s32 $0x1;
	s8 =	ssub.s32 s8, s10  }
0xa: {  	s7 =	smul.u32 $0x2710, s7;
	v1 =	vor.u32 $0x1, v0;
	v2 =	vor.u32 $0x2, v0;
	s10 =	simm.s32 $0x13880;
	s8 =	smax.u32 s8, $0x1  }
.LBB2_1:
0xb: {  	[tilespmem:s3], [sflag:$0x1] =	stream.linear.gather [hbm4b:s4+s3], $0x13880, $0x38;
	[tilespmem:$0x16800] =	vst v63  }
0xc: {  	_ =	swait.ge [sflag:s9], $0x13880  }
0xd: {  	[sflag:s9] =	ssyncset.done $0x0  }
0xe: {  	s14 =	simm.s32 $0x0;
	[sflag:s9] =	ssyncadd.s32 $0xFFFEC780  }
.LBB2_2:
0xf: {  	s15 =	smul.u32 $0x7D0, s14;
	_ =	sdelay $0x1  }
0x10: {  	s15 =	sadd.s32 s7, s15  }
0x11: {  	s16 =	sshrl.u32 s15, $0x3  }
0x12: {  	s18 =	simm.s32 $0x0;
	s17 =	sadd.s32 s5, s16  }
0x13: {  	[tilespmem:s10], [sflag:$0x1] =	stream.linear.gather [hbm4b:s17+s18], $0x7D0, $0x38;
	[tilespmem:$0x16800] =	vst v63  }
0x14: {  	_ =	swait.ge [sflag:s9], $0x7D0  }
0x15: {  	[sflag:s9] =	ssyncset.done $0x0  }
0x16: {  	s16 =	sadd.s32 s6, s16;
	[sflag:s9] =	ssyncadd.s32 $0xFFFFF830  }
0x17: {  	[tilespmem:s11], [sflag:$0x1] =	stream.linear.gather [hbm4b:s16+s18], $0x7D0, $0x38;
	[tilespmem:$0x16800] =	vst v63  }
0x18: {  	_ =	swait.ge [sflag:s9], $0x7D0  }
0x19: {  	[sflag:s9] =	ssyncset.done $0x0  }
0x1a: {  	s31 =	simm.s32 $0x0;
	[sflag:s9] =	ssyncadd.s32 $0xFFFFF830  }
0x1b: {  	v3 =	vld [tilespmem:s31+$0x14080]  }
0x1c: {  	v4 =	vld [tilespmem:s31+$0x13880];
	_ =	sdelay $0x3  }
0x1d: {  	v5 =	vadd.s32 $0x7530, v3;
	_ =	sdelay $0x3  }
0x1e: {  	v6 =	vld.idx.msk [tilespmem:v4+s3+$0x0], $0xffff  }
0x1f: {  	v5 =	vld.idx.msk [tilespmem:v5+s3+$0x0], $0xffff;
	_ =	sdelay $0x2  }
0x20: {  	v7 =	vor.u32 s18, v0  }
0x21: {  	v8 =	vadd.s32 $0x2710, v4  }
0x22: {  	v5 =	vadd.f32 v5, v6;
	v6 =	vadd.s32 $0x9C40, v3;
	_ =	sdelay $0x1  }
0x23: {  	v5 =	vmax.f32 v5, $0.0e+00  }
0x24: {  	[tilespmem:v7+s12+$0x0] =	vst.idx.msk $0xffff, v5  }
0x25: {  	v5 =	vld.idx.msk [tilespmem:v8+s3+$0x0], $0xffff  }
0x26: {  	v6 =	vld.idx.msk [tilespmem:v6+s3+$0x0], $0xffff;
	_ =	sdelay $0x2  }
0x27: {  	v7 =	vor.u32 s18, v1  }
0x28: {  	v4 =	vadd.s32 $0x4E20, v4  }
0x29: {  	v3 =	vadd.s32 $0xC350, v3;
	v5 =	vadd.f32 v6, v5;
	_ =	sdelay $0x1  }
0x2a: {  	v5 =	vmax.f32 v5, $0.0e+00  }
0x2b: {  	[tilespmem:v7+s12+$0x0] =	vst.idx.msk $0xffff, v5  }
0x2c: {  	v4 =	vld.idx.msk [tilespmem:v4+s3+$0x0], $0xffff  }
0x2d: {  	v5 =	vld.idx.msk [tilespmem:v3+s3+$0x0], $0xffff;
	_ =	sdelay $0x2  }
0x2e: {  	s16 =	simm.s32 $0x40;
	v3 =	vor.u32 s18, v2  }
.LBB2_3:
0x2f: {  	_ = 	snop  }
0x30: {  	p0 =	sne.s32 s16, $0x1F00;
	s17 =	smov.u32 s16;
	s16 =	sadd.s32 $0x40, s16;
	v4 =	vadd.f32 v5, v4  }
0x31: {  	_ = 	snop  }
0x32: {  	s18 =	sshra.s32 s17, $0x2;
	v4 =	vmax.f32 v4, $0.0e+00  }
0x33: {  	[tilespmem:v3+s12+$0x0] =	vst.idx.msk $0xffff, v4  }
0x34: {  	v3 =	vld [tilespmem:s18+$0x14080]  }
0x35: {  	v4 =	vld [tilespmem:s18+$0x13880];
	_ =	sdelay $0x3  }
0x36: {  	v5 =	vadd.s32 $0x7530, v3;
	_ =	sdelay $0x3  }
0x37: {  	v6 =	vld.idx.msk [tilespmem:v4+s3+$0x0], $0xffff  }
0x38: {  	v5 =	vld.idx.msk [tilespmem:v5+s3+$0x0], $0xffff;
	_ =	sdelay $0x3  }
0x39: {  	v7 =	vor.u32 s17, v0  }
0x3a: {  	v8 =	vadd.s32 $0x2710, v4  }
0x3b: {  	v5 =	vadd.f32 v5, v6;
	v6 =	vadd.s32 $0x9C40, v3;
	_ =	sdelay $0x1  }
0x3c: {  	v5 =	vmax.f32 v5, $0.0e+00  }
0x3d: {  	[tilespmem:v7+s12+$0x0] =	vst.idx.msk $0xffff, v5  }
0x3e: {  	v5 =	vld.idx.msk [tilespmem:v8+s3+$0x0], $0xffff  }
0x3f: {  	v6 =	vld.idx.msk [tilespmem:v6+s3+$0x0], $0xffff;
	_ =	sdelay $0x3  }
0x40: {  	v7 =	vor.u32 s17, v1  }
0x41: {  	v4 =	vadd.s32 $0x4E20, v4;
	v3 =	vadd.s32 $0xC350, v3  }
0x42: {  	v5 =	vadd.f32 v6, v5;
	_ =	sdelay $0x1  }
0x43: {  	v5 =	vmax.f32 v5, $0.0e+00  }
0x44: {  	[tilespmem:v7+s12+$0x0] =	vst.idx.msk $0xffff, v5  }
.Ltmp0:
0x45: {  	v4 =	vld.idx.msk [tilespmem:v4+s3+$0x0], $0xffff;
	(pc) =	sbr.rel @p0 .LBB2_3-.Ltmp0, $2  }
0x46: {  	v5 =	vld.idx.msk [tilespmem:v3+s3+$0x0], $0xffff;
	_ =	sdelay $0x2  }
0x47: {  	v3 =	vor.u32 s17, v2  }
0x48: {  	_ = 	snop  }
0x49: {  	v4 =	vadd.f32 v5, v4  }
0x4a: {  	s14 =	sadd.s32 $0x1, s14  }
0x4b: {  	s15 =	sshrl.u32 s15, $0x1;
	p0 =	sne.s32 s14, $0x5;
	v4 =	vmax.f32 v4, $0.0e+00  }
.Ltmp1:
0x4c: {  	s15 =	sadd.s32 s1, s15;
	[tilespmem:v3+s12+$0x0] =	vst.idx.msk $0xffff, v4;
	(pc) =	sbr.rel @p0 .LBB2_2-.Ltmp1, $4  }
0x4d: {  	[hbm4b:s15+s3] =	stream.linear.scatter [tilespmem:s12], [sflag:$0x1], $0x1F40, $0x38;
	[tilespmem:$0x16800] =	vst v63  }
0x4e: {  	_ =	swait.ge [sflag:s9], $0x1F40  }
0x4f: {  	[sflag:s9] =	ssyncset.done $0x0  }
0x50: {  	[sflag:s9] =	ssyncadd.s32 $0xFFFFE0C0  }
0x51: {  	s13 =	sadd.s32 $0x1, s13  }
0x52: {  	p0 =	sne.s32 s13, s8  }
.Ltmp2:
0x53: {  	_ = 	snop;
	(pc) =	sbr.rel @p0 .LBB2_1-.Ltmp2, $1  }
0x54: {  	_ =	sdelay $0x3  }
0x55: {  	_ =	sfence.sel $0x180000  }
0x56: {  	[bflag:$0x0] =	sbarrier.arrive $0xFFFF  }
0x57: {  	p0 =	sne.s32 s2, $0x0;
	_ =	strace $0x90000047  }
0x58: {  	s0 =	sadd.s32 @!p0 $0x100000, s0;
	[bflag:$0x2] =	sbarrier.arrive $0xFFFF  }
0x59: {  	[sflag:s0] =	ssyncadd.tile.s32 @!p0 $0x1;
	_ =	shalt  }
.Lfunc_end2:
_tile_overlayer_lowered:
.L_overlay_start_2:
0x5a: {  	(tag) =	ssettag $0x2  }
0x5b: {  	s0 =	rddreg [dreg:$0x0];
	s2 =	stileid.u32  }
0x5c: {  	s1 =	rddreg [dreg:$0x1];
	p0 =	sne.s32 s2, $0x0  }
0x5d: {  	s3 =	rddreg [dreg:$0x2];
	[bflag:$0x3] =	sbarrier.arrive $0xFFFF;
	s2 =	simm.s32 @!p0 $0x1C01  }
0x5e: {  	[timem:s3], [sflag:s2] =	dma.local @!p0 [hbm:s0], s1  }
0x5f: {  	s0 =	simm.s32 @!p0 $0x1  }
0x60: {  	_ =	swait.ge @!p0 [sflag:s0], s1  }
0x61: {  	s1 =	ssub.s32 @!p0 $0x0, s1;
	[sflag:s0] =	ssyncset.done @!p0 $0x0  }
0x62: {  	[sflag:s0] =	ssyncadd.s32 @!p0 s1  }
0x63: {  	[bflag:$0x3] =	sbarrier.arrive $0xFFFF  }
0x64: {  	_ =	shalt  }

</sc_bundles>
